<compile_context>
chip_gen: v7x
topology: tpu7x:2x2x1
jax: 0.10.2.dev20260603
libtpu: 0.0.44.dev20260713+nightly
codegen_flags: <defaults>
</compile_context>

<pallas_src>
import functools
import math

import jax
import jax.numpy as jnp
from jax import lax
from jax.experimental import pallas as pl
from jax.experimental.pallas import tpu as pltpu
from jax.experimental.pallas import tpu_sc as plsc

_VOCAB = 100000
_DIM = 64
_B = 16384
_X_MAX = 100.0
_ALPHA = 0.75
_LOG_XMAX = math.log(_X_MAX)

_NC, _NS, _L = 2, 16, 16
_NW = _NC * _NS
_BPW = _B // _NW
_CHUNK = 256
_NCHUNK = _BPW // _CHUNK


_mesh = plsc.VectorSubcoreMesh(core_axis_name="c", subcore_axis_name="s")


@functools.partial(
    pl.kernel,
    out_type=jax.ShapeDtypeStruct((_B,), jnp.float32),
    mesh=_mesh,
    compiler_params=pltpu.CompilerParams(needs_layout_passes=False,
                                         use_tc_tiling_on_sc=False),
    scratch_types=[
        pltpu.VMEM((_BPW,), jnp.int32),
        pltpu.VMEM((_BPW,), jnp.int32),
        pltpu.VMEM((_CHUNK, _DIM), jnp.float32),
        pltpu.VMEM((_CHUNK, _DIM), jnp.float32),
        pltpu.VMEM((_BPW,), jnp.float32),
        pltpu.VMEM((_BPW,), jnp.float32),
        pltpu.VMEM((_BPW,), jnp.float32),
        pltpu.SemaphoreType.DMA,
    ],
)
def _sc_dot(cidx_hbm, pidx_hbm, cemb_hbm, cbias_hbm, pemb_hbm, pbias_hbm,
            out_hbm, cidx_v, pidx_v, ce_v, pe_v,
            cb_v, pb_v, s_v, sem):
    wid = lax.axis_index("s") * _NC + lax.axis_index("c")
    base = wid * _BPW
    pltpu.sync_copy(cidx_hbm.at[pl.ds(base, _BPW)], cidx_v)
    pltpu.sync_copy(pidx_hbm.at[pl.ds(base, _BPW)], pidx_v)

    b1 = pltpu.async_copy(cbias_hbm.at[cidx_v], cb_v, sem)
    b2 = pltpu.async_copy(pbias_hbm.at[pidx_v], pb_v, sem)

    iot = lax.iota(jnp.int32, _L)

    for c in range(_NCHUNK):
        g1 = pltpu.async_copy(
            cemb_hbm.at[cidx_v.at[pl.ds(c * _CHUNK, _CHUNK)]], ce_v, sem)
        g2 = pltpu.async_copy(
            pemb_hbm.at[pidx_v.at[pl.ds(c * _CHUNK, _CHUNK)]], pe_v, sem)
        g1.wait()
        g2.wait()
        if c == 0:
            b1.wait()
            b2.wait()

        def group(g, carry, c=c):
            off = c * _CHUNK + g * _L
            rows = g * _L + iot
            acc0 = cb_v[pl.ds(off, _L)] + pb_v[pl.ds(off, _L)]

            zero = iot * 0

            def dstep(d, acc):
                cols = zero + d
                return acc + (plsc.load_gather(ce_v, [rows, cols]) *
                              plsc.load_gather(pe_v, [rows, cols]))

            acc = lax.fori_loop(0, _DIM, dstep, acc0)
            s_v[pl.ds(off, _L)] = acc
            return carry

        lax.fori_loop(0, _CHUNK // _L, group, 0)

    pltpu.sync_copy(s_v, out_hbm.at[pl.ds(base, _BPW)])



def _loss_body(s_ref, lab_ref, out_ref):
    lab = lab_ref[...]
    ll = jnp.log(lab)
    w = jnp.minimum(jnp.exp(_ALPHA * (ll - _LOG_XMAX)), 1.0)
    diff = s_ref[...] - ll
    out_ref[0, 0] = jnp.sum(w * diff * diff) * (1.0 / _B)


_loss_call = pl.pallas_call(
    _loss_body,
    out_shape=jax.ShapeDtypeStruct((1, 1), jnp.float32),
    in_specs=[
        pl.BlockSpec(memory_space=pltpu.VMEM),
        pl.BlockSpec(memory_space=pltpu.VMEM),
    ],
    out_specs=pl.BlockSpec(memory_space=pltpu.SMEM),
)


def kernel(c_data, p_data, labels, c_embed, c_bias, p_embed, p_bias):
    s = _sc_dot(c_data.astype(jnp.int32), p_data.astype(jnp.int32),
                c_embed, c_bias.reshape(-1), p_embed, p_bias.reshape(-1))
    out = _loss_call(s.reshape(128, 128), labels.reshape(128, 128))
    return out[0, 0]

# --- scband reference (transcript-rebuilt; emitter-appended) ---
"""Pipeline reference for scband-glove-7310034338571 (READ-ONLY COPY).

The authoritative reference and input builder live on the scoring server;
editing this copy changes nothing except your own understanding.
"""

import jax, jax.numpy as jnp
import numpy as np

VOCAB = 100000
DIM = 64
BATCH = 16384
X_MAX = 100.0
ALPHA = 0.75


def setup_inputs(seed: int = 0) -> dict:
    key = jax.random.key(seed)
    ks = jax.random.split(key, 7)
    c_data = jax.random.randint(ks[0], (BATCH,), 0, VOCAB)
    p_data = jax.random.randint(ks[1], (BATCH,), 0, VOCAB)
    # co-occurrence counts: strictly positive so log(labels) is finite
    labels = jax.random.uniform(ks[2], (BATCH,), dtype=jnp.float32) * 99.0 + 1.0
    c_embed = jax.random.normal(ks[3], (VOCAB, DIM), dtype=jnp.float32)
    c_bias = jax.random.normal(ks[4], (VOCAB, 1), dtype=jnp.float32)
    p_embed = jax.random.normal(ks[5], (VOCAB, DIM), dtype=jnp.float32)
    p_bias = jax.random.normal(ks[6], (VOCAB, 1), dtype=jnp.float32)
    return {
        "c_data": c_data,
        "p_data": p_data,
        "labels": labels,
        "c_embed": c_embed,
        "c_bias": c_bias,
        "p_embed": p_embed,
        "p_bias": p_bias,
    }


def reference(c_data, p_data, labels, c_embed, c_bias, p_embed, p_bias):
    # gather embeddings and biases by the original integer indices
    ce = jnp.take(c_embed, c_data, axis=0)          # [B, D]
    cb = jnp.take(c_bias, c_data, axis=0)[:, 0]     # [B]
    pe = jnp.take(p_embed, p_data, axis=0)          # [B, D]
    pb = jnp.take(p_bias, p_data, axis=0)[:, 0]     # [B]
    weight = jnp.power(labels / X_MAX, ALPHA)
    weight = jnp.minimum(weight, 1.0)               # weight[weight > 1] = 1
    dot = jnp.sum(ce * pe, axis=1)                  # [B]
    diff = dot + cb + pb - jnp.log(labels)
    loss = jnp.mean(weight * jnp.power(diff, 2.0))
    return loss

if __name__ == "__main__":
    import jax
    _d = setup_inputs()
    print(jax.jit(kernel)(*tuple(_d.values())))

</pallas_src>

<mosaic_0001>
#map = affine_map<(d0, d1) -> (0)>
#map1 = affine_map<(d0, d1) -> (0, 0)>
module attributes {stable_mosaic.version = 14 : i64} {
  func.func @_sc_dot(%arg0: i32, %arg1: i32, %arg2: memref<16384xi32, #tpu.memory_space<hbm>>, %arg3: memref<16384xi32, #tpu.memory_space<hbm>>, %arg4: memref<100000x64xf32, #tpu.memory_space<hbm>>, %arg5: memref<100000xf32, #tpu.memory_space<hbm>>, %arg6: memref<100000x64xf32, #tpu.memory_space<hbm>>, %arg7: memref<100000xf32, #tpu.memory_space<hbm>>, %arg8: memref<16384xf32, #tpu.memory_space<hbm>>, %arg9: memref<512xi32, #tpu.memory_space<vmem>>, %arg10: memref<512xi32, #tpu.memory_space<vmem>>, %arg11: memref<256x64xf32, #tpu.memory_space<vmem>>, %arg12: memref<256x64xf32, #tpu.memory_space<vmem>>, %arg13: memref<512xf32, #tpu.memory_space<vmem>>, %arg14: memref<512xf32, #tpu.memory_space<vmem>>, %arg15: memref<512xf32, #tpu.memory_space<vmem>>, %arg16: memref<!tpu.dma_semaphore, #tpu.memory_space<semaphore_mem>>) attributes {dimension_semantics = [#tpu.dimension_semantics<core_parallel>, #tpu.dimension_semantics<subcore_parallel>], iteration_bounds = array<i64: 2, 16>, scalar_prefetch = 0 : i64, scratch_operands = 8 : i64, tpu.core_type = #tpu.core_type<sc_vector_subcore>, window_params = [{transform_indices = #map}, {transform_indices = #map}, {transform_indices = #map1}, {transform_indices = #map}, {transform_indices = #map1}, {transform_indices = #map}, {transform_indices = #map}]} {
    %mul3A = arith.constant 2 : i32
    %mul3A_0 = arith.muli %arg1, %mul3A : i32
    %add3A = arith.addi %mul3A_0, %arg0 : i32
    %mul3A_1 = arith.constant 512 : i32
    %mul3A_2 = arith.muli %add3A, %mul3A_1 : i32
    "tpu.region"() ({
      %run_scoped3A = tpu.sem_alloc : memref<!tpu.dma_semaphore, #tpu.memory_space<semaphore_mem>>
      %dma_start3A_60 = tpu.memref_slice %arg2[%mul3A_2] : memref<16384xi32, #tpu.memory_space<hbm>> -> memref<512xi32, #tpu.memory_space<hbm>>
      %dma_start3A_61 = tpu.memref_slice %arg2[%mul3A_2] : memref<16384xi32, #tpu.memory_space<hbm>> -> memref<512xi32, #tpu.memory_space<hbm>>
      tpu.enqueue_dma source(%dma_start3A_61 : memref<512xi32, #tpu.memory_space<hbm>>) target(%arg9 : memref<512xi32, #tpu.memory_space<vmem>>) target_semaphore(%run_scoped3A : memref<!tpu.dma_semaphore, #tpu.memory_space<semaphore_mem>>)
      %dma_wait3A_62 = tpu.memref_slice %arg2[%mul3A_2] : memref<16384xi32, #tpu.memory_space<hbm>> -> memref<512xi32, #tpu.memory_space<hbm>>
      %dma_wait3A_63 = tpu.memref_slice %arg2[%mul3A_2] : memref<16384xi32, #tpu.memory_space<hbm>> -> memref<512xi32, #tpu.memory_space<hbm>>
      tpu.wait_dma2 semaphore(%run_scoped3A : memref<!tpu.dma_semaphore, #tpu.memory_space<semaphore_mem>>) src(%dma_wait3A_63 : memref<512xi32, #tpu.memory_space<hbm>>) dst(%arg9 : memref<512xi32, #tpu.memory_space<vmem>>)
      tpu.yield
    }) : () -> ()
    "tpu.region"() ({
      %run_scoped3A = tpu.sem_alloc : memref<!tpu.dma_semaphore, #tpu.memory_space<semaphore_mem>>
      %dma_start3A_60 = tpu.memref_slice %arg3[%mul3A_2] : memref<16384xi32, #tpu.memory_space<hbm>> -> memref<512xi32, #tpu.memory_space<hbm>>
      %dma_start3A_61 = tpu.memref_slice %arg3[%mul3A_2] : memref<16384xi32, #tpu.memory_space<hbm>> -> memref<512xi32, #tpu.memory_space<hbm>>
      tpu.enqueue_dma source(%dma_start3A_61 : memref<512xi32, #tpu.memory_space<hbm>>) target(%arg10 : memref<512xi32, #tpu.memory_space<vmem>>) target_semaphore(%run_scoped3A : memref<!tpu.dma_semaphore, #tpu.memory_space<semaphore_mem>>)
      %dma_wait3A_62 = tpu.memref_slice %arg3[%mul3A_2] : memref<16384xi32, #tpu.memory_space<hbm>> -> memref<512xi32, #tpu.memory_space<hbm>>
      %dma_wait3A_63 = tpu.memref_slice %arg3[%mul3A_2] : memref<16384xi32, #tpu.memory_space<hbm>> -> memref<512xi32, #tpu.memory_space<hbm>>
      tpu.wait_dma2 semaphore(%run_scoped3A : memref<!tpu.dma_semaphore, #tpu.memory_space<semaphore_mem>>) src(%dma_wait3A_63 : memref<512xi32, #tpu.memory_space<hbm>>) dst(%arg10 : memref<512xi32, #tpu.memory_space<vmem>>)
      tpu.yield
    }) : () -> ()
    %dma_start3A = arith.constant 0 : i32
    %dma_start3A_3 = tpu.memref_slice %arg5[%dma_start3A] : memref<100000xf32, #tpu.memory_space<hbm>> -> memref<100000xf32, #tpu.memory_space<hbm>>
    tpu.enqueue_indirect_dma source(%dma_start3A_3 : memref<100000xf32, #tpu.memory_space<hbm>>) target(%arg13 : memref<512xf32, #tpu.memory_space<vmem>>) offsets(%arg9 : memref<512xi32, #tpu.memory_space<vmem>>) semaphore(%arg16 : memref<!tpu.dma_semaphore, #tpu.memory_space<semaphore_mem>>)
    %dma_start3A_4 = arith.constant 0 : i32
    %dma_start3A_5 = tpu.memref_slice %arg7[%dma_start3A_4] : memref<100000xf32, #tpu.memory_space<hbm>> -> memref<100000xf32, #tpu.memory_space<hbm>>
    tpu.enqueue_indirect_dma source(%dma_start3A_5 : memref<100000xf32, #tpu.memory_space<hbm>>) target(%arg14 : memref<512xf32, #tpu.memory_space<vmem>>) offsets(%arg10 : memref<512xi32, #tpu.memory_space<vmem>>) semaphore(%arg16 : memref<!tpu.dma_semaphore, #tpu.memory_space<semaphore_mem>>)
    %iota3A = tpu.iota {dimensions = array<i32: 0>} : vector<16xi32>
    %dma_start3A_6 = arith.constant 0 : i32
    %dma_start3A_7 = tpu.memref_slice %arg9[%dma_start3A_6] : memref<512xi32, #tpu.memory_space<vmem>> -> memref<256xi32, #tpu.memory_space<vmem>>
    %dma_start3A_8 = arith.constant 0 : i32
    %dma_start3A_9 = arith.constant 0 : i32
    %dma_start3A_10 = tpu.memref_slice %arg4[%dma_start3A_8, %dma_start3A_9] : memref<100000x64xf32, #tpu.memory_space<hbm>> -> memref<100000x64xf32, #tpu.memory_space<hbm>>
    tpu.enqueue_indirect_dma source(%dma_start3A_10 : memref<100000x64xf32, #tpu.memory_space<hbm>>) target(%arg11 : memref<256x64xf32, #tpu.memory_space<vmem>>) offsets(%dma_start3A_7 : memref<256xi32, #tpu.memory_space<vmem>>) semaphore(%arg16 : memref<!tpu.dma_semaphore, #tpu.memory_space<semaphore_mem>>)
    %dma_start3A_11 = arith.constant 0 : i32
    %dma_start3A_12 = tpu.memref_slice %arg10[%dma_start3A_11] : memref<512xi32, #tpu.memory_space<vmem>> -> memref<256xi32, #tpu.memory_space<vmem>>
    %dma_start3A_13 = arith.constant 0 : i32
    %dma_start3A_14 = arith.constant 0 : i32
    %dma_start3A_15 = tpu.memref_slice %arg6[%dma_start3A_13, %dma_start3A_14] : memref<100000x64xf32, #tpu.memory_space<hbm>> -> memref<100000x64xf32, #tpu.memory_space<hbm>>
    tpu.enqueue_indirect_dma source(%dma_start3A_15 : memref<100000x64xf32, #tpu.memory_space<hbm>>) target(%arg12 : memref<256x64xf32, #tpu.memory_space<vmem>>) offsets(%dma_start3A_12 : memref<256xi32, #tpu.memory_space<vmem>>) semaphore(%arg16 : memref<!tpu.dma_semaphore, #tpu.memory_space<semaphore_mem>>)
    %dma_wait3A = arith.constant 0 : i32
    %dma_wait3A_16 = tpu.memref_slice %arg9[%dma_wait3A] : memref<512xi32, #tpu.memory_space<vmem>> -> memref<256xi32, #tpu.memory_space<vmem>>
    %dma_wait3A_17 = arith.constant 0 : i32
    %dma_wait3A_18 = arith.constant 0 : i32
    %dma_wait3A_19 = tpu.memref_slice %arg4[%dma_wait3A_17, %dma_wait3A_18] : memref<100000x64xf32, #tpu.memory_space<hbm>> -> memref<100000x64xf32, #tpu.memory_space<hbm>>
    tpu.wait_indirect_dma semaphore(%arg16 : memref<!tpu.dma_semaphore, #tpu.memory_space<semaphore_mem>>) src(%dma_wait3A_19 : memref<100000x64xf32, #tpu.memory_space<hbm>>) dst(%arg11 : memref<256x64xf32, #tpu.memory_space<vmem>>)
    %dma_wait3A_20 = arith.constant 0 : i32
    %dma_wait3A_21 = tpu.memref_slice %arg10[%dma_wait3A_20] : memref<512xi32, #tpu.memory_space<vmem>> -> memref<256xi32, #tpu.memory_space<vmem>>
    %dma_wait3A_22 = arith.constant 0 : i32
    %dma_wait3A_23 = arith.constant 0 : i32
    %dma_wait3A_24 = tpu.memref_slice %arg6[%dma_wait3A_22, %dma_wait3A_23] : memref<100000x64xf32, #tpu.memory_space<hbm>> -> memref<100000x64xf32, #tpu.memory_space<hbm>>
    tpu.wait_indirect_dma semaphore(%arg16 : memref<!tpu.dma_semaphore, #tpu.memory_space<semaphore_mem>>) src(%dma_wait3A_24 : memref<100000x64xf32, #tpu.memory_space<hbm>>) dst(%arg12 : memref<256x64xf32, #tpu.memory_space<vmem>>)
    %dma_wait3A_25 = arith.constant 0 : i32
    %dma_wait3A_26 = tpu.memref_slice %arg5[%dma_wait3A_25] : memref<100000xf32, #tpu.memory_space<hbm>> -> memref<100000xf32, #tpu.memory_space<hbm>>
    tpu.wait_indirect_dma semaphore(%arg16 : memref<!tpu.dma_semaphore, #tpu.memory_space<semaphore_mem>>) src(%dma_wait3A_26 : memref<100000xf32, #tpu.memory_space<hbm>>) dst(%arg13 : memref<512xf32, #tpu.memory_space<vmem>>)
    %dma_wait3A_27 = arith.constant 0 : i32
    %dma_wait3A_28 = tpu.memref_slice %arg7[%dma_wait3A_27] : memref<100000xf32, #tpu.memory_space<hbm>> -> memref<100000xf32, #tpu.memory_space<hbm>>
    tpu.wait_indirect_dma semaphore(%arg16 : memref<!tpu.dma_semaphore, #tpu.memory_space<semaphore_mem>>) src(%dma_wait3A_28 : memref<100000xf32, #tpu.memory_space<hbm>>) dst(%arg14 : memref<512xf32, #tpu.memory_space<vmem>>)
    %scan3A = arith.constant 0 : i32
    %scan3A_29 = arith.constant 0 : i32
    %scan3A_30 = arith.constant 16 : i32
    %scan3A_31 = arith.addi %scan3A_29, %scan3A_30 : i32
    %scan3A_32 = arith.constant 1 : i32
    scf.for %scan3A_60 = %scan3A_29 to %scan3A_31 step %scan3A_32  : i32 {
      %mul3A_61 = arith.constant 16 : i32
      %mul3A_62 = arith.muli %scan3A_60, %mul3A_61 : i32
      %add3A_63 = arith.constant 0 : i32
      %add3A_64 = arith.addi %add3A_63, %mul3A_62 : i32
      %mul3A_65 = arith.constant 16 : i32
      %mul3A_66 = arith.muli %scan3A_60, %mul3A_65 : i32
      %add3A_67 = vector.broadcast %mul3A_66 : i32 to vector<16xi32>
      %add3A_68 = arith.addi %add3A_67, %iota3A : vector<16xi32>
      %get3A = arith.index_cast %add3A_64 : i32 to index
      %get3A_69 = tpu.vector_load %arg13[%get3A] {strides = array<i32>} : memref<512xf32, #tpu.memory_space<vmem>>, vector<16xf32>,
      %get3A_70 = arith.index_cast %add3A_64 : i32 to index
      %get3A_71 = tpu.vector_load %arg14[%get3A_70] {strides = array<i32>} : memref<512xf32, #tpu.memory_space<vmem>>, vector<16xf32>,
      %add3A_72 = arith.addf %get3A_69, %get3A_71 : vector<16xf32>
      %mul3A_73 = arith.constant 0 : i32
      %mul3A_74 = vector.broadcast %mul3A_73 : i32 to vector<16xi32>
      %mul3A_75 = arith.muli %iota3A, %mul3A_74 : vector<16xi32>
      %scan3A_76 = arith.constant 0 : i32
      %scan3A_77 = arith.constant 64 : i32
      %scan3A_78 = arith.addi %scan3A_76, %scan3A_77 : i32
      %scan3A_79 = arith.constant 1 : i32
      %scan3A_80 = scf.for %scan3A_83 = %scan3A_76 to %scan3A_78 step %scan3A_79 iter_args(%scan3A_84 = %add3A_72) -> (vector<16xf32>)  : i32 {
        %add3A_85 = vector.broadcast %scan3A_83 : i32 to vector<16xi32>
        %add3A_86 = arith.addi %mul3A_75, %add3A_85 : vector<16xi32>
        %gather3A = tpu.vector_load_idx %arg11[%add3A_68, %add3A_86] : memref<256x64xf32, #tpu.memory_space<vmem>>[vector<16xi32>, vector<16xi32>], vector<16xf32>,
        %gather3A_87 = tpu.vector_load_idx %arg12[%add3A_68, %add3A_86] : memref<256x64xf32, #tpu.memory_space<vmem>>[vector<16xi32>, vector<16xi32>], vector<16xf32>,
        %mul3A_88 = arith.mulf %gather3A, %gather3A_87 : vector<16xf32>
        %add3A_89 = arith.addf %scan3A_84, %mul3A_88 : vector<16xf32>
        scf.yield %add3A_89 : vector<16xf32>
      }
      %scan3A_81 = arith.constant 64 : i32
      %swap3A = arith.index_cast %add3A_64 : i32 to index
      %swap3A_82 = tpu.vector_load %arg15[%swap3A] {strides = array<i32>} : memref<512xf32, #tpu.memory_space<vmem>>, vector<16xf32>,
      tpu.vector_store %arg15[%swap3A], %scan3A_80 {strides = array<i32>} : memref<512xf32, #tpu.memory_space<vmem>>, vector<16xf32>,
    }
    %scan3A_33 = arith.constant 16 : i32
    %dma_start3A_34 = arith.constant 256 : i32
    %dma_start3A_35 = tpu.memref_slice %arg9[%dma_start3A_34] : memref<512xi32, #tpu.memory_space<vmem>> -> memref<256xi32, #tpu.memory_space<vmem>>
    %dma_start3A_36 = arith.constant 0 : i32
    %dma_start3A_37 = arith.constant 0 : i32
    %dma_start3A_38 = tpu.memref_slice %arg4[%dma_start3A_36, %dma_start3A_37] : memref<100000x64xf32, #tpu.memory_space<hbm>> -> memref<100000x64xf32, #tpu.memory_space<hbm>>
    tpu.enqueue_indirect_dma source(%dma_start3A_38 : memref<100000x64xf32, #tpu.memory_space<hbm>>) target(%arg11 : memref<256x64xf32, #tpu.memory_space<vmem>>) offsets(%dma_start3A_35 : memref<256xi32, #tpu.memory_space<vmem>>) semaphore(%arg16 : memref<!tpu.dma_semaphore, #tpu.memory_space<semaphore_mem>>)
    %dma_start3A_39 = arith.constant 256 : i32
    %dma_start3A_40 = tpu.memref_slice %arg10[%dma_start3A_39] : memref<512xi32, #tpu.memory_space<vmem>> -> memref<256xi32, #tpu.memory_space<vmem>>
    %dma_start3A_41 = arith.constant 0 : i32
    %dma_start3A_42 = arith.constant 0 : i32
    %dma_start3A_43 = tpu.memref_slice %arg6[%dma_start3A_41, %dma_start3A_42] : memref<100000x64xf32, #tpu.memory_space<hbm>> -> memref<100000x64xf32, #tpu.memory_space<hbm>>
    tpu.enqueue_indirect_dma source(%dma_start3A_43 : memref<100000x64xf32, #tpu.memory_space<hbm>>) target(%arg12 : memref<256x64xf32, #tpu.memory_space<vmem>>) offsets(%dma_start3A_40 : memref<256xi32, #tpu.memory_space<vmem>>) semaphore(%arg16 : memref<!tpu.dma_semaphore, #tpu.memory_space<semaphore_mem>>)
    %dma_wait3A_44 = arith.constant 256 : i32
    %dma_wait3A_45 = tpu.memref_slice %arg9[%dma_wait3A_44] : memref<512xi32, #tpu.memory_space<vmem>> -> memref<256xi32, #tpu.memory_space<vmem>>
    %dma_wait3A_46 = arith.constant 0 : i32
    %dma_wait3A_47 = arith.constant 0 : i32
    %dma_wait3A_48 = tpu.memref_slice %arg4[%dma_wait3A_46, %dma_wait3A_47] : memref<100000x64xf32, #tpu.memory_space<hbm>> -> memref<100000x64xf32, #tpu.memory_space<hbm>>
    tpu.wait_indirect_dma semaphore(%arg16 : memref<!tpu.dma_semaphore, #tpu.memory_space<semaphore_mem>>) src(%dma_wait3A_48 : memref<100000x64xf32, #tpu.memory_space<hbm>>) dst(%arg11 : memref<256x64xf32, #tpu.memory_space<vmem>>)
    %dma_wait3A_49 = arith.constant 256 : i32
    %dma_wait3A_50 = tpu.memref_slice %arg10[%dma_wait3A_49] : memref<512xi32, #tpu.memory_space<vmem>> -> memref<256xi32, #tpu.memory_space<vmem>>
    %dma_wait3A_51 = arith.constant 0 : i32
    %dma_wait3A_52 = arith.constant 0 : i32
    %dma_wait3A_53 = tpu.memref_slice %arg6[%dma_wait3A_51, %dma_wait3A_52] : memref<100000x64xf32, #tpu.memory_space<hbm>> -> memref<100000x64xf32, #tpu.memory_space<hbm>>
    tpu.wait_indirect_dma semaphore(%arg16 : memref<!tpu.dma_semaphore, #tpu.memory_space<semaphore_mem>>) src(%dma_wait3A_53 : memref<100000x64xf32, #tpu.memory_space<hbm>>) dst(%arg12 : memref<256x64xf32, #tpu.memory_space<vmem>>)
    %scan3A_54 = arith.constant 0 : i32
    %scan3A_55 = arith.constant 0 : i32
    %scan3A_56 = arith.constant 16 : i32
    %scan3A_57 = arith.addi %scan3A_55, %scan3A_56 : i32
    %scan3A_58 = arith.constant 1 : i32
    scf.for %scan3A_60 = %scan3A_55 to %scan3A_57 step %scan3A_58  : i32 {
      %mul3A_61 = arith.constant 16 : i32
      %mul3A_62 = arith.muli %scan3A_60, %mul3A_61 : i32
      %add3A_63 = arith.constant 256 : i32
      %add3A_64 = arith.addi %add3A_63, %mul3A_62 : i32
      %mul3A_65 = arith.constant 16 : i32
      %mul3A_66 = arith.muli %scan3A_60, %mul3A_65 : i32
      %add3A_67 = vector.broadcast %mul3A_66 : i32 to vector<16xi32>
      %add3A_68 = arith.addi %add3A_67, %iota3A : vector<16xi32>
      %get3A = arith.index_cast %add3A_64 : i32 to index
      %get3A_69 = tpu.vector_load %arg13[%get3A] {strides = array<i32>} : memref<512xf32, #tpu.memory_space<vmem>>, vector<16xf32>,
      %get3A_70 = arith.index_cast %add3A_64 : i32 to index
      %get3A_71 = tpu.vector_load %arg14[%get3A_70] {strides = array<i32>} : memref<512xf32, #tpu.memory_space<vmem>>, vector<16xf32>,
      %add3A_72 = arith.addf %get3A_69, %get3A_71 : vector<16xf32>
      %mul3A_73 = arith.constant 0 : i32
      %mul3A_74 = vector.broadcast %mul3A_73 : i32 to vector<16xi32>
      %mul3A_75 = arith.muli %iota3A, %mul3A_74 : vector<16xi32>
      %scan3A_76 = arith.constant 0 : i32
      %scan3A_77 = arith.constant 64 : i32
      %scan3A_78 = arith.addi %scan3A_76, %scan3A_77 : i32
      %scan3A_79 = arith.constant 1 : i32
      %scan3A_80 = scf.for %scan3A_83 = %scan3A_76 to %scan3A_78 step %scan3A_79 iter_args(%scan3A_84 = %add3A_72) -> (vector<16xf32>)  : i32 {
        %add3A_85 = vector.broadcast %scan3A_83 : i32 to vector<16xi32>
        %add3A_86 = arith.addi %mul3A_75, %add3A_85 : vector<16xi32>
        %gather3A = tpu.vector_load_idx %arg11[%add3A_68, %add3A_86] : memref<256x64xf32, #tpu.memory_space<vmem>>[vector<16xi32>, vector<16xi32>], vector<16xf32>,
        %gather3A_87 = tpu.vector_load_idx %arg12[%add3A_68, %add3A_86] : memref<256x64xf32, #tpu.memory_space<vmem>>[vector<16xi32>, vector<16xi32>], vector<16xf32>,
        %mul3A_88 = arith.mulf %gather3A, %gather3A_87 : vector<16xf32>
        %add3A_89 = arith.addf %scan3A_84, %mul3A_88 : vector<16xf32>
        scf.yield %add3A_89 : vector<16xf32>
      }
      %scan3A_81 = arith.constant 64 : i32
      %swap3A = arith.index_cast %add3A_64 : i32 to index
      %swap3A_82 = tpu.vector_load %arg15[%swap3A] {strides = array<i32>} : memref<512xf32, #tpu.memory_space<vmem>>, vector<16xf32>,
      tpu.vector_store %arg15[%swap3A], %scan3A_80 {strides = array<i32>} : memref<512xf32, #tpu.memory_space<vmem>>, vector<16xf32>,
    }
    %scan3A_59 = arith.constant 16 : i32
    "tpu.region"() ({
      %run_scoped3A = tpu.sem_alloc : memref<!tpu.dma_semaphore, #tpu.memory_space<semaphore_mem>>
      %dma_start3A_60 = tpu.memref_slice %arg8[%mul3A_2] : memref<16384xf32, #tpu.memory_space<hbm>> -> memref<512xf32, #tpu.memory_space<hbm>>
      %dma_start3A_61 = tpu.memref_slice %arg8[%mul3A_2] : memref<16384xf32, #tpu.memory_space<hbm>> -> memref<512xf32, #tpu.memory_space<hbm>>
      tpu.enqueue_dma source(%arg15 : memref<512xf32, #tpu.memory_space<vmem>>) target(%dma_start3A_61 : memref<512xf32, #tpu.memory_space<hbm>>) target_semaphore(%run_scoped3A : memref<!tpu.dma_semaphore, #tpu.memory_space<semaphore_mem>>)
      %dma_wait3A_62 = tpu.memref_slice %arg8[%mul3A_2] : memref<16384xf32, #tpu.memory_space<hbm>> -> memref<512xf32, #tpu.memory_space<hbm>>
      %dma_wait3A_63 = tpu.memref_slice %arg8[%mul3A_2] : memref<16384xf32, #tpu.memory_space<hbm>> -> memref<512xf32, #tpu.memory_space<hbm>>
      tpu.wait_dma2 semaphore(%run_scoped3A : memref<!tpu.dma_semaphore, #tpu.memory_space<semaphore_mem>>) src(%arg15 : memref<512xf32, #tpu.memory_space<vmem>>) dst(%dma_wait3A_63 : memref<512xf32, #tpu.memory_space<hbm>>)
      tpu.yield
    }) : () -> ()
    return
  }
}

module attributes {stable_mosaic.version = 14 : i64} {
  func.func @_loss_body(%arg0: memref<128x128xf32, #tpu.memory_space<vmem>>, %arg1: memref<128x128xf32, #tpu.memory_space<vmem>>, %arg2: memref<1x1xf32, #tpu.memory_space<smem>>) attributes {dimension_semantics = [], scalar_prefetch = 0 : i64, scratch_operands = 0 : i64, tpu.core_type = #tpu.core_type<tc>} {
    %get3A = arith.constant 0 : index
    %get3A_0 = arith.constant 0 : index
    %get3A_1 = vector.load %arg1[%get3A, %get3A_0] : memref<128x128xf32, #tpu.memory_space<vmem>>, vector<128x128xf32>
    %log3A = math.log %get3A_1 : vector<128x128xf32>
    %sub3A = arith.constant 4.60517025 : f32
    %sub3A_2 = vector.broadcast %sub3A : f32 to vector<128x128xf32>
    %sub3A_3 = arith.subf %log3A, %sub3A_2 : vector<128x128xf32>
    %mul3A = arith.constant 7.500000e-01 : f32
    %mul3A_4 = vector.broadcast %mul3A : f32 to vector<128x128xf32>
    %mul3A_5 = arith.mulf %mul3A_4, %sub3A_3 : vector<128x128xf32>
    %exp3A = math.exp %mul3A_5 : vector<128x128xf32>
    %min3A = arith.constant 1.000000e+00 : f32
    %min3A_6 = vector.broadcast %min3A : f32 to vector<128x128xf32>
    %min3A_7 = arith.minimumf %exp3A, %min3A_6 : vector<128x128xf32>
    %get3A_8 = arith.constant 0 : index
    %get3A_9 = arith.constant 0 : index
    %get3A_10 = vector.load %arg0[%get3A_8, %get3A_9] : memref<128x128xf32, #tpu.memory_space<vmem>>, vector<128x128xf32>
    %sub3A_11 = arith.subf %get3A_10, %log3A : vector<128x128xf32>
    %mul3A_12 = arith.mulf %min3A_7, %sub3A_11 : vector<128x128xf32>
    %mul3A_13 = arith.mulf %mul3A_12, %sub3A_11 : vector<128x128xf32>
    %reduce_sum3A = vector.shape_cast %mul3A_13 : vector<128x128xf32> to vector<1x128x128xf32>
    %reduce_sum3A_14 = arith.constant dense<0.000000e+00> : vector<1xf32>
    %reduce_sum3A_15 = vector.multi_reduction <add>, %reduce_sum3A, %reduce_sum3A_14 [1, 2] : vector<1x128x128xf32> to vector<1xf32>
    %reduce_sum3A_16 = vector.shape_cast %reduce_sum3A_15 : vector<1xf32> to vector<1x1x1xf32>
    %reduce_sum3A_17 = vector.extract %reduce_sum3A_16[0, 0, 0] : f32 from vector<1x1x1xf32>
    %mul3A_18 = arith.constant 6.10351563E-5 : f32
    %mul3A_19 = arith.mulf %reduce_sum3A_17, %mul3A_18 : f32
    %swap3A = arith.constant 0 : index
    %swap3A_20 = arith.constant 0 : index
    %swap3A_21 = memref.load %arg2[%swap3A, %swap3A_20] : memref<1x1xf32, #tpu.memory_space<smem>>
    memref.store %mul3A_19, %arg2[%swap3A, %swap3A_20] : memref<1x1xf32, #tpu.memory_space<smem>>
    return
  }
}

</mosaic_0001>

<sc_bundles>
// kernel: kernel.4.cloned.1.call-start
scs
__scs_entry_jumppad:
0x0: {  	(pc) =	sbr.rel $0x88, $3  }
0x1: {  	(tag) =	ssettag $0x0;
	lr =	simm.s32 $0x1  }
0x2: {  	[smem:$0x3F9A] =	sst lr;
	_ =	strace $0xD0000000  }
0x3: {  	_ = 	snop  }
0x4: {  	_ = 	snop  }
0x5: {  	_ = 	snop  }
0x6: {  	_ = 	snop  }
0x7: {  	_ = 	snop  }
__scs_overlays_trampoline_lowered:
0x8: {  	[smem:$0x3FA9] =	sst s0  }
0x9: {  	[smem:$0x3FAA] =	sst s1  }
0xa: {  	[smem:$0x3FAB] =	sst s2  }
0xb: {  	[smem:$0x3FAC] =	sst s3  }
0xc: {  	[smem:$0x3FAD] =	sst s4  }
0xd: {  	[smem:$0x3FAE] =	sst s5  }
0xe: {  	[smem:$0x3FAF] =	sst s6  }
0xf: {  	[smem:$0x3FB0] =	sst s7  }
0x10: {  	[smem:$0x3FB1] =	sst s8  }
0x11: {  	[smem:$0x3FB2] =	sst s9;
	s0 =	simm.s32 @!p0 $0x0  }
0x12: {  	s1 =	sld [smem:$0x3F98];
	s0 =	simm.s32 @p0 $0x1  }
0x13: {  	[smem:$0x3FB3] =	sst s0;
	s0 =	simm.s32 @!p1 $0x0  }
0x14: {  	s2 =	sld [smem:$0x3F97];
	s0 =	simm.s32 @p1 $0x1  }
0x15: {  	[smem:$0x3FB4] =	sst s0;
	s0 =	simm.s32 @!p2 $0x0  }
0x16: {  	s3 =	sld [smem:$0x3FDB];
	s0 =	simm.s32 @p2 $0x1  }
0x17: {  	s4 =	simm.s32 $0x1BF5;
	[smem:$0x3FB6] =	sst s0  }
0x18: {  	s0 =	sld [smem:$0x3F99];
	_ =	swait.ge [sflag:s4], $0x0  }
0x19: {  	s7 =	sld [smem:$0x3F9A]  }
0x1a: {  	s8 =	sadd.s32 $0xFFFFE003, lr  }
0x1b: {  	s9 =	sadd.s32 $0xFFFFFEF7, lr;
	s5 =	simm.s32 $0xFFFFFFFF;
	p2 =	slt.u32 s8, $0xFFFFF086  }
0x1c: {  	p1 =	slt.u32 s9, $0xF7A;
	s5 =	simm.s32 @!p2 $0x0  }
0x1d: {  	s5 =	simm.s32 @p1 $0x1;
	p0 =	seq.s32 s7, s2  }
0x1e: {  	s7 =	smul.u32 @!p0 $0xF7A, s2;
	p2 =	seq.s32 @!p0 s5, $0x0  }
0x1f: {  	s9 =	smul.u32 $0xF7A, s1;
	s8 =	simm.s32 @!p0 $0x1BF5;
	p2 =	por !p2, p0  }
0x20: {  	[sflag:s8] =	ssyncset.s32 @!p0 $0xFFFFF086;
	s6 =	sadd.s32 @!p0 s3, s7;
	s7 =	simm.s32 @!p0 $0x108  }
0x21: {  	s3 =	sadd.s32 s3, s9;
	s6 =	sadd.s32 @!p0 $0x88, s6;
	s7 =	simm.s32 @p2 $0x1082  }
0x22: {  	[simem:s7], [sflag:s8] =	dma.local @!p0 [hbm:s6], $0xF7A  }
0x23: {  	s9 =	sor.u32 $0xD0000000, s2;
	s6 =	simm.s32 $0x108;
	_ =	swait.ge @!p0 [sflag:s8], $0x0  }
0x24: {  	s3 =	sadd.s32 $0x88, s3;
	s6 =	simm.s32 @!p1 $0x1082;
	[sflag:s4] =	ssyncset.s32 $0xFFFFF086  }
0x25: {  	[simem:s6], [sflag:s4] =	dma.local [hbm:s3], $0xF7A  }
0x26: {  	[smem:$0x3F9A] =	sst s1;
	(tag) =	ssettag s2;
	_ =	strace s9  }
0x27: {  	s1 =	sld [smem:$0x3FAA]  }
0x28: {  	s2 =	sld [smem:$0x3FAB]  }
0x29: {  	s4 =	sld [smem:$0x3FAD]  }
0x2a: {  	p0 =	seq.s32 s5, $0x0;
	s5 =	sld [smem:$0x3FAE]  }
0x2b: {  	s6 =	sld [smem:$0x3FAF]  }
0x2c: {  	s7 =	sld [smem:$0x3FB0]  }
0x2d: {  	s3 =	simm.s32 $0x108;
	s8 =	sld [smem:$0x3FB1]  }
0x2e: {  	s3 =	simm.s32 @!p0 $0x1082;
	s9 =	sld [smem:$0x3FB2]  }
0x2f: {  	lr =	sadd.s32 s0, s3;
	s0 =	sld [smem:$0x3FA9]  }
0x30: {  	s3 =	sld [smem:$0x3FAC]  }
0x31: {  	[smem:$0x3FB5] =	sst s10  }
0x32: {  	s10 =	sld [smem:$0x3FB3];
	_ =	sdelay $0x3  }
0x33: {  	p0 =	seq.s32 s10, $0x1;
	s10 =	sld [smem:$0x3FB5];
	_ =	sdelay $0x3  }
0x34: {  	[smem:$0x3FB5] =	sst s10  }
0x35: {  	s10 =	sld [smem:$0x3FB4];
	_ =	sdelay $0x3  }
0x36: {  	p1 =	seq.s32 s10, $0x1;
	s10 =	sld [smem:$0x3FB5];
	_ =	sdelay $0x3  }
0x37: {  	[smem:$0x3FB5] =	sst s10  }
0x38: {  	s10 =	sld [smem:$0x3FB6]  }
0x39: {  	_ = 	snop;
	(pc) =	sbr.ind lr, $3  }
0x3a: {  	_ = 	snop  }
0x3b: {  	_ = 	snop  }
0x3c: {  	p2 =	seq.s32 s10, $0x1;
	s10 =	sld [smem:$0x3FB5]  }
0x3d: {  	_ =	shalt  }
0x3e: {  	_ =	shalt  }
0x3f: {  	_ =	shalt  }
0x40: {  	_ =	shalt  }
0x41: {  	_ =	shalt  }
0x42: {  	_ =	shalt  }
0x43: {  	_ =	shalt  }
0x44: {  	_ =	shalt  }
0x45: {  	_ =	shalt  }
0x46: {  	_ =	shalt  }
0x47: {  	_ =	shalt  }
0x48: {  	_ =	shalt  }
0x49: {  	_ =	shalt  }
0x4a: {  	_ =	shalt  }
0x4b: {  	_ =	shalt  }
0x4c: {  	_ =	shalt  }
0x4d: {  	_ =	shalt  }
0x4e: {  	_ =	shalt  }
0x4f: {  	_ =	shalt  }
0x50: {  	_ =	shalt  }
0x51: {  	_ =	shalt  }
0x52: {  	_ =	shalt  }
0x53: {  	_ =	shalt  }
0x54: {  	_ =	shalt  }
0x55: {  	_ =	shalt  }
0x56: {  	_ =	shalt  }
0x57: {  	_ =	shalt  }
0x58: {  	_ =	shalt  }
0x59: {  	_ =	shalt  }
0x5a: {  	_ =	shalt  }
0x5b: {  	_ =	shalt  }
0x5c: {  	_ =	shalt  }
0x5d: {  	_ =	shalt  }
0x5e: {  	_ =	shalt  }
0x5f: {  	_ =	shalt  }
0x60: {  	_ =	shalt  }
0x61: {  	_ =	shalt  }
0x62: {  	_ =	shalt  }
0x63: {  	_ =	shalt  }
0x64: {  	_ =	shalt  }
0x65: {  	_ =	shalt  }
0x66: {  	_ =	shalt  }
0x67: {  	_ =	shalt  }
0x68: {  	_ =	shalt  }
0x69: {  	_ =	shalt  }
0x6a: {  	_ =	shalt  }
0x6b: {  	_ =	shalt  }
0x6c: {  	_ =	shalt  }
0x6d: {  	_ =	shalt  }
0x6e: {  	_ =	shalt  }
0x6f: {  	_ =	shalt  }
0x70: {  	_ =	shalt  }
0x71: {  	_ =	shalt  }
0x72: {  	_ =	shalt  }
0x73: {  	_ =	shalt  }
0x74: {  	_ =	shalt  }
0x75: {  	_ =	shalt  }
0x76: {  	_ =	shalt  }
0x77: {  	_ =	shalt  }
0x78: {  	_ =	shalt  }
0x79: {  	_ =	shalt  }
0x7a: {  	_ =	shalt  }
0x7b: {  	_ =	shalt  }
0x7c: {  	_ =	shalt  }
0x7d: {  	_ =	shalt  }
0x7e: {  	_ =	shalt  }
0x7f: {  	_ =	shalt  }
0x80: {  	_ =	shalt  }
0x81: {  	_ =	shalt  }
0x82: {  	_ =	shalt  }
0x83: {  	_ =	shalt  }
0x84: {  	_ =	shalt  }
0x85: {  	_ =	shalt  }
0x86: {  	_ =	shalt  }
0x87: {  	_ =	shalt  }
.Lfunc_end0:
.L_simem_size_0:
called_computation_lowered:
.L_overlay_start_0:
0x88: {  	s2 =	sld [smem:$0x3FD9]  }
0x89: {  	s3 =	sld [smem:$0x3FFE];
	_ =	sdelay $0x1  }
0x8a: {  	s1 =	srdreg.scid  }
0x8b: {  	s0 =	sand.u32 $0x1, s1  }
0x8c: {  	s17 =	sshll.u32 s0, $0xA;
	s2 =	sadd.s32 s3, s2  }
0x8d: {  	s2 =	sadd.s32 s2, s17  }
0x8e: {  	[smem:$0x3FC1] =	sst s2  }
0x8f: {  	_ = 	snop  }
0x90: {  	s2 =	sld [smem:$0x3FC9]  }
0x91: {  	s18 =	sld [smem:$0x3FC8];
	(tm) =	ssettm $0x1  }
0x92: {  	s4 =	sld [smem:$0x3FFB];
	_ =	sdelay $0x3  }
0x93: {  	_ =	strace s4  }
0x94: {  	s4 =	sld [smem:$0x3FFC];
	_ =	sdelay $0x3  }
0x95: {  	_ =	strace s4  }
0x96: {  	s4 =	sld [smem:$0x3FFD];
	_ =	sdelay $0x3  }
0x97: {  	_ =	strace s4  }
0x98: {  	_ =	strace $0x8FFFFFFF  }
0x99: {  	s19 =	sld [smem:$0x3FDB];
	_ =	sdelay $0x1  }
0x9a: {  	s5 =	simm.s32 $_scs_section_size  }
0x9b: {  	s6 =	simm.s32 $_size__tile_overlayer_lowered;
	s7 =	simm.s32 $_tile_overlayer_lowered  }
0x9c: {  	s22 =	simm.s32 $0x1BFF;
	s21 =	sshll.u32 s7, $0x1;
	s4 =	sadd.s32 s5, s19  }
0x9d: {  	s8 =	simm.s32 $0x0;
	s20 =	sshll.u32 s6, $0x1;
	s6 =	sadd.s32 s21, s4  }
0x9e: {  	[timem:s8], [sflag:s22] =	dma.local [hbm:s6], s20  }
0x9f: {  	_ =	swait.ge [sflag:s22], s20  }
0xa0: {  	s5 =	ssub.s32 $0x0, s20;
	[sflag:s22] =	ssyncset.done $0x0  }
0xa1: {  	[sflag:s22] =	ssyncadd.s32 s5;
	_ =	sdelay $0x1  }
0xa2: {  	s23 =	simm.s32 $0x1B8B  }
0xa3: {  	_ =	swait.ge [sflag:s23], $0x1  }
0xa4: {  	[sflag:s23] =	ssyncset.done $0x0  }
0xa5: {  	s25 =	simm.s32 $0x1B8E;
	s24 =	sld [smem:$0x3FFE];
	[sflag:s23] =	ssyncadd.s32 $0xFFFFFFFF  }
0xa6: {  	s26 =	simm.s32 $execute0_lowered;
	[smem:$0x3FD2] =	sst s25  }
0xa7: {  	s6 =	sshll.u32 s26, $0x1;
	_ =	strace $0x80000046;
	[dreg:$0x1] =	wrdreg $0xFFFFFFFF  }
0xa8: {  	s28 =	simm.s32 $_size_execute0_lowered;
	s4 =	sadd.s32 s4, s6;
	[dreg:$0x0] =	wrdreg $0x0  }
0xa9: {  	s6 =	sshll.u32 s28, $0x1;
	[dreg:$0x2] =	wrdreg s4  }
0xaa: {  	[dreg:$0x3] =	wrdreg s6  }
0xab: {  	[dreg:$0x4] =	wrdreg $0xC0  }
0xac: {  	_ =	task [dreg:s8], $0x5FFFF  }
0xad: {  	[dreg:$0x1] =	wrdreg $0xFFFFFFFF  }
0xae: {  	[dreg:$0x0] =	wrdreg $0x60  }
0xaf: {  	[dreg:$0x2] =	wrdreg s2  }
0xb0: {  	[dreg:$0x3] =	wrdreg s18  }
0xb1: {  	[dreg:$0x4] =	wrdreg s24  }
0xb2: {  	[dreg:$0x5] =	wrdreg $0x9  }
0xb3: {  	_ =	task.clear_ibuf [dreg:s8], $0x6FFFF;
	_ =	strace $0x90000046  }
0xb4: {  	s29 =	simm.s32 $0x9;
	_ =	strace $0x80000048  }
0xb5: {  	_ =	swait.ge [sflag:s29], $0x1  }
0xb6: {  	[sflag:s29] =	ssyncadd.s32 $0xFFFFFFFF  }
0xb7: {  	_ =	strace $0x90000048  }
0xb8: {  	_ =	sfence  }
0xb9: {  	s30 =	sld [smem:$0x0];
	_ =	sdelay $0x2  }
0xba: {  	s31 =	sshll.u32 s1, $0xD;
	s1 =	sshrl.u32 s1, $0x2  }
0xbb: {  	s3 =	sand.u32 $0x4000, s31;
	s1 =	sadd.s32 s1, s30  }
0xbc: {  	s0 =	sor.u32 s3, s0;
	s1 =	sshll.u32 s1, $0x11  }
0xbd: {  	s0 =	sor.u32 s1, s0  }
0xbe: {  	s0 =	sadd.s32 $0x8F2B, s0  }
0xbf: {  	[sflag:s0] =	ssyncadd.remote.s32 $0x1  }
0xc0: {  	_ =	sfence.sel $0xFFFF  }
0xc1: {  	[dreg:$0x0] =	wrdreg $0xFFFFFFFF;
	(pc) =	sbr.abs _section_cstart, $3  }
0xc2: {  	[dreg:$0x1] =	wrdreg $0xFFFFFFFF  }
0xc3: {  	_ =	task.clear_ibuf [dreg:s8], $0x2FFFF;
	_ =	strace $0x9FFFFFFF  }
0xc4: {  	(tm) =	ssettm $0x7FFFFFFF  }
0xc5: {  	_ =	shalt  }
tec
execute0_lowered:
.L_overlay_start_1:
0x0: {  	(tag) =	ssettag $0x1  }
0x1: {  	s7 =	rddreg [dreg:$0x0]  }
0x2: {  	s8 =	rddreg [dreg:$0x1]  }
0x3: {  	s9 =	rddreg [dreg:$0x2]  }
0x4: {  	s0 =	rddreg [dreg:$0x3];
	s1 =	simm.s32 $0x0;
	s5 =	srdreg.scid  }
0x5: {  	s2 =	stileid.u32;
	s13 =	simm.s32 $0x8400;
	s14 =	simm.s32 $0x8600  }
0x6: {  	s15 =	simm.s32 $0x100;
	s16 =	simm.s32 $0x400;
	s17 =	simm.s32 $0x4400  }
0x7: {  	s18 =	simm.s32 $0x1;
	s19 =	simm.s32 $0x300;
	s20 =	simm.s32 $0x8800  }
0x8: {  	s21 =	simm.s32 $0x0;
	[smem:$0x7FF] =	sst s1;
	s3 =	sadd.s32 $0x24BE00, s9  }
0x9: {  	s4 =	sadd.s32 $0x5000, s9;
	s5 =	sand.u32 $0x1, s5;
	s6 =	sshll.u32 s2, $0x7  }
0xa: {  	_ =	strace $0x80000047;
	s10 =	sshll.u32 s5, $0x6;
	s11 =	ssub.s32 $0x2, s5  }
0xb: {  	s5 =	sadd.s32 $0x188800, s9;
	s10 =	sor.u32 s10, s6;
	s12 =	sshrl.u32 s11, $0x1  }
0xc: {  	s6 =	sadd.s32 $0x1E00, s9;
	s9 =	sadd.s32 s10, s9;
	s11 =	ssub.s32 s11, s12  }
0xd: {  	v0 =	vlaneseq.u32;
	s7 =	sadd.s32 s7, s10;
	s8 =	sadd.s32 s8, s10;
	s12 =	simm.s32 $0x200  }
0xe: {  	v0 =	vmul.u32 $0x40, v0;
	s9 =	sadd.s32 $0x8200, s9;
	s10 =	smax.u32 s11, $0x1;
	s11 =	simm.s32 $0x2  }
.LBB2_1:
0xf: {  	[tilespmem:s1], [sflag:$0x2] =	stream.linear.gather [hbm4b:s7+s1], $0x200, $0x38;
	[tilespmem:$0x8A00] =	vst v63  }
0x10: {  	_ =	swait.ge [sflag:s11], $0x200  }
0x11: {  	[sflag:s11] =	ssyncset.done $0x0  }
0x12: {  	[sflag:s11] =	ssyncadd.s32 $0xFFFFFE00  }
0x13: {  	[tilespmem:s12], [sflag:$0x2] =	stream.linear.gather [hbm4b:s8+s1], $0x200, $0x38;
	[tilespmem:$0x8A00] =	vst v63  }
0x14: {  	_ =	swait.ge [sflag:s11], $0x200  }
0x15: {  	[sflag:s11] =	ssyncset.done $0x0  }
0x16: {  	[sflag:s11] =	ssyncadd.s32 $0xFFFFFE00  }
0x17: {  	[tilespmem:s13], [sflag:$0x1] =	stream.indirect.gather [hbm4b:s4+s12], $0x1, s1, s12, $0xb8;
	[tilespmem:$0x8A00] =	vst v63  }
0x18: {  	_ = 	snop  }
0x19: {  	[tilespmem:s14], [sflag:$0x1] =	stream.indirect.gather [hbm4b:s6+s12], $0x1, s12, s12, $0xb8;
	[tilespmem:$0x8A00] =	vst v63  }
0x1a: {  	_ = 	snop  }
0x1b: {  	[tilespmem:s16], [sflag:$0x1] =	stream.indirect.gather [hbm4b:s3+s15], $0x40, s1, s15, $0xb8;
	[tilespmem:$0x8A00] =	vst v63  }
0x1c: {  	_ = 	snop  }
0x1d: {  	[tilespmem:s17], [sflag:$0x1] =	stream.indirect.gather [hbm4b:s5+s15], $0x40, s12, s15, $0xb8;
	[tilespmem:$0x8A00] =	vst v63  }
0x1e: {  	_ =	swait.ge [sflag:s18], $0x4000  }
0x1f: {  	[sflag:s18] =	ssyncset.done $0x0  }
0x20: {  	[sflag:s18] =	ssyncadd.s32 $0xFFFFC000  }
0x21: {  	_ =	swait.ge [sflag:s18], $0x4000  }
0x22: {  	[sflag:s18] =	ssyncset.done $0x0  }
0x23: {  	[sflag:s18] =	ssyncadd.s32 $0xFFFFC000  }
0x24: {  	_ =	swait.ge [sflag:s18], $0x200  }
0x25: {  	[sflag:s18] =	ssyncset.done $0x0  }
0x26: {  	[sflag:s18] =	ssyncadd.s32 $0xFFFFFE00  }
0x27: {  	_ =	swait.ge [sflag:s18], $0x200  }
0x28: {  	[sflag:s18] =	ssyncset.done $0x0  }
0x29: {  	s22 =	simm.s32 $0x0;
	[sflag:s18] =	ssyncadd.s32 $0xFFFFFE00  }
.LBB2_2:
0x2a: {  	s24 =	simm.s32 $0x0  }
0x2b: {  	s23 =	sshll.u32 s22, $0x4;
	v1 =	vmov s24  }
0x2c: {  	v2 =	vmov s23;
	v1 =	vand.u32 $0x3F, v1  }
0x2d: {  	v2 =	vshll.u32 v2, $0x6;
	v3 =	vbroadcast v1, $0x0  }
0x2e: {  	v1 =	vor.u32 v0, v2  }
0x2f: {  	s30 =	simm.s32 $0x1;
	v2 =	vor.u32 v1, v3  }
0x30: {  	v3 =	vmov s30  }
0x31: {  	v3 =	vand.u32 $0x3F, v3  }
0x32: {  	v4 =	vld [tilespmem:s23+$0x8400];
	v3 =	vbroadcast v3, $0x0  }
0x33: {  	v5 =	vld [tilespmem:s23+$0x8600]  }
0x34: {  	v7 =	vor.u32 v1, v3;
	v6 =	vld.idx.msk [tilespmem:v2+s16+$0x0], $0xffff  }
0x35: {  	s31 =	simm.s32 $0x2;
	v8 =	vld.idx.msk [tilespmem:v2+s17+$0x0], $0xffff  }
0x36: {  	v2 =	vmov s31  }
0x37: {  	v2 =	vand.u32 $0x3F, v2  }
0x38: {  	v9 =	vbroadcast v2, $0x0  }
0x39: {  	v2 =	vld.idx.msk [tilespmem:v7+s16+$0x0], $0xffff  }
0x3a: {  	s24 =	simm.s32 $0x3;
	v3 =	vadd.f32 v5, v4;
	v5 =	vor.u32 v1, v9;
	v4 =	vld.idx.msk [tilespmem:v7+s17+$0x0], $0xffff;
	v6 =	vmul.f32 v8, v6  }
.LBB2_3:
0x3b: {  	p0 =	sne.s32 s24, $0x3F  }
.Ltmp0:
0x3c: {  	v7 =	vmov s24;
	v3 =	vadd.f32 v6, v3;
	(pc) =	sbr.rel @p0 .LBB2_3-.Ltmp0, $4  }
0x3d: {  	s24 =	sadd.s32 $0x1, s24;
	v8 =	vand.u32 $0x3F, v7  }
0x3e: {  	v7 =	vbroadcast v8, $0x0  }
0x3f: {  	v6 =	vmov v2;
	v2 =	vld.idx.msk [tilespmem:v5+s16+$0x0], $0xffff  }
0x40: {  	v6 =	vmul.f32 v4, v6;
	v4 =	vld.idx.msk [tilespmem:v5+s17+$0x0], $0xffff;
	v5 =	vor.u32 v1, v7  }
0x41: {  	_ =	sdelay $0x3  }
0x42: {  	v1 =	vld.idx.msk [tilespmem:v5+s16+$0x0], $0xffff  }
0x43: {  	v63 =	vld.idx.msk [tilespmem:v5+s17+$0x0], $0xffff;
	_ =	sdelay $0x2  }
0x44: {  	s22 =	sadd.s32 $0x1, s22;
	v3 =	vadd.f32 v6, v3;
	v2 =	vmul.f32 v4, v2  }
0x45: {  	p0 =	sne.s32 s22, $0x10  }
.Ltmp1:
0x46: {  	v1 =	vmul.f32 v63, v1;
	v2 =	vadd.f32 v2, v3;
	(pc) =	sbr.rel @p0 .LBB2_2-.Ltmp1, $3  }
0x47: {  	_ = 	snop  }
0x48: {  	v1 =	vadd.f32 v1, v2;
	_ =	sdelay $0x1  }
0x49: {  	[tilespmem:s23+$0x8800] =	vst v1  }
0x4a: {  	[tilespmem:s16], [sflag:$0x1] =	stream.indirect.gather [hbm4b:s3+s15], $0x40, s15, s15, $0xb8;
	[tilespmem:$0x8A00] =	vst v63  }
0x4b: {  	_ = 	snop  }
0x4c: {  	[tilespmem:s17], [sflag:$0x1] =	stream.indirect.gather [hbm4b:s5+s15], $0x40, s19, s15, $0xb8;
	[tilespmem:$0x8A00] =	vst v63  }
0x4d: {  	_ =	swait.ge [sflag:s18], $0x4000  }
0x4e: {  	[sflag:s18] =	ssyncset.done $0x0  }
0x4f: {  	[sflag:s18] =	ssyncadd.s32 $0xFFFFC000  }
0x50: {  	_ =	swait.ge [sflag:s18], $0x4000  }
0x51: {  	[sflag:s18] =	ssyncset.done $0x0  }
0x52: {  	s22 =	simm.s32 $0x0;
	s23 =	simm.s32 $0x0;
	[sflag:s18] =	ssyncadd.s32 $0xFFFFC000  }
.LBB2_6:
0x53: {  	s24 =	sshll.u32 s23, $0x4;
	v1 =	vmov s22  }
0x54: {  	v2 =	vmov s24;
	v1 =	vand.u32 $0x3F, v1  }
0x55: {  	v2 =	vshll.u32 v2, $0x6;
	v3 =	vbroadcast v1, $0x0  }
0x56: {  	v1 =	vor.u32 v0, v2  }
0x57: {  	s25 =	simm.s32 $0x1;
	v2 =	vor.u32 v1, v3  }
0x58: {  	v3 =	vmov s25  }
0x59: {  	v3 =	vand.u32 $0x3F, v3  }
0x5a: {  	v4 =	vld [tilespmem:s24+$0x8500];
	v3 =	vbroadcast v3, $0x0  }
0x5b: {  	v5 =	vld [tilespmem:s24+$0x8700]  }
0x5c: {  	v7 =	vor.u32 v1, v3;
	v6 =	vld.idx.msk [tilespmem:v2+s16+$0x0], $0xffff  }
0x5d: {  	s31 =	simm.s32 $0x2;
	v8 =	vld.idx.msk [tilespmem:v2+s17+$0x0], $0xffff  }
0x5e: {  	v2 =	vmov s31  }
0x5f: {  	v2 =	vand.u32 $0x3F, v2  }
0x60: {  	v9 =	vbroadcast v2, $0x0  }
0x61: {  	v2 =	vld.idx.msk [tilespmem:v7+s16+$0x0], $0xffff  }
0x62: {  	s24 =	sor.u32 $0x100, s24;
	s25 =	simm.s32 $0x3;
	v3 =	vadd.f32 v5, v4;
	v5 =	vor.u32 v1, v9;
	v4 =	vld.idx.msk [tilespmem:v7+s17+$0x0], $0xffff;
	v6 =	vmul.f32 v8, v6  }
.LBB2_7:
0x63: {  	p0 =	sne.s32 s25, $0x3F  }
.Ltmp2:
0x64: {  	v7 =	vmov s25;
	v3 =	vadd.f32 v6, v3;
	(pc) =	sbr.rel @p0 .LBB2_7-.Ltmp2, $4  }
0x65: {  	s25 =	sadd.s32 $0x1, s25;
	v8 =	vand.u32 $0x3F, v7  }
0x66: {  	v7 =	vbroadcast v8, $0x0  }
0x67: {  	v6 =	vmov v2;
	v2 =	vld.idx.msk [tilespmem:v5+s16+$0x0], $0xffff  }
0x68: {  	v6 =	vmul.f32 v4, v6;
	v4 =	vld.idx.msk [tilespmem:v5+s17+$0x0], $0xffff;
	v5 =	vor.u32 v1, v7  }
0x69: {  	_ =	sdelay $0x3  }
0x6a: {  	v1 =	vld.idx.msk [tilespmem:v5+s16+$0x0], $0xffff  }
0x6b: {  	v63 =	vld.idx.msk [tilespmem:v5+s17+$0x0], $0xffff;
	_ =	sdelay $0x2  }
0x6c: {  	s23 =	sadd.s32 $0x1, s23;
	v3 =	vadd.f32 v6, v3;
	v2 =	vmul.f32 v4, v2  }
0x6d: {  	p0 =	sne.s32 s23, $0x10  }
.Ltmp3:
0x6e: {  	v1 =	vmul.f32 v63, v1;
	v2 =	vadd.f32 v2, v3;
	(pc) =	sbr.rel @p0 .LBB2_6-.Ltmp3, $3  }
0x6f: {  	_ = 	snop  }
0x70: {  	v1 =	vadd.f32 v1, v2;
	_ =	sdelay $0x1  }
0x71: {  	[tilespmem:s24+$0x8800] =	vst v1  }
0x72: {  	s21 =	sadd.s32 $0x1, s21  }
0x73: {  	p0 =	sne.s32 s21, s10  }
.Ltmp4:
0x74: {  	_ = 	snop;
	(pc) =	sbr.rel @p0 .LBB2_1-.Ltmp4, $4  }
0x75: {  	[hbm4b:s9+s1] =	stream.linear.scatter [tilespmem:s20], [sflag:$0x2], $0x200, $0x38;
	[tilespmem:$0x8A00] =	vst v63  }
0x76: {  	_ =	swait.ge [sflag:s11], $0x200  }
0x77: {  	[sflag:s11] =	ssyncset.done $0x0  }
0x78: {  	[sflag:s11] =	ssyncadd.s32 $0xFFFFFE00  }
0x79: {  	_ =	sfence.sel $0x180000  }
0x7a: {  	[bflag:$0x0] =	sbarrier.arrive $0xFFFF  }
0x7b: {  	p0 =	sne.s32 s2, $0x0;
	_ =	strace $0x90000047  }
0x7c: {  	s0 =	sadd.s32 @!p0 $0x100000, s0;
	[bflag:$0x2] =	sbarrier.arrive $0xFFFF  }
0x7d: {  	[sflag:s0] =	ssyncadd.tile.s32 @!p0 $0x1;
	_ =	shalt  }
.Lfunc_end2:
_tile_overlayer_lowered:
.L_overlay_start_2:
0x7e: {  	(tag) =	ssettag $0x2  }
0x7f: {  	s0 =	rddreg [dreg:$0x0];
	s2 =	stileid.u32  }
0x80: {  	s1 =	rddreg [dreg:$0x1];
	p0 =	sne.s32 s2, $0x0  }
0x81: {  	s3 =	rddreg [dreg:$0x2];
	[bflag:$0x3] =	sbarrier.arrive $0xFFFF;
	s2 =	simm.s32 @!p0 $0x1C02  }
0x82: {  	[timem:s3], [sflag:s2] =	dma.local @!p0 [hbm:s0], s1  }
0x83: {  	s0 =	simm.s32 @!p0 $0x2  }
0x84: {  	_ =	swait.ge @!p0 [sflag:s0], s1  }
0x85: {  	s1 =	ssub.s32 @!p0 $0x0, s1;
	[sflag:s0] =	ssyncset.done @!p0 $0x0  }
0x86: {  	[sflag:s0] =	ssyncadd.s32 @!p0 s1  }
0x87: {  	[bflag:$0x3] =	sbarrier.arrive $0xFFFF  }
0x88: {  	_ =	shalt  }

</sc_bundles>
